<compile_context>
chip_gen: v7x
topology: tpu7x:2x2x1
jax: 0.10.2.dev20260603
libtpu: 0.0.44.dev20260713+nightly
codegen_flags: <defaults>
</compile_context>

<pallas_src>
import functools

import jax
import jax.numpy as jnp
from jax import lax
from jax.experimental import pallas as pl
from jax.experimental.pallas import tpu as pltpu
from jax.experimental.pallas import tpu_sc as plsc

MAX_WORD_LEN = 16
CHAR_VOCAB = 128
CHAR_DIM = 64
EMBED_SIZE = 128

V_BLOCK = 4000


def _table_body(seqs_ref, lens_ref, ce_ref, w_ref, b_ref, out_ref):
    L = MAX_WORD_LEN
    seqs = seqs_ref[...]
    lens = lens_ref[...].reshape(V_BLOCK, 1)
    lens_f = lens.astype(jnp.float32)
    ones_l = jnp.ones((1, L), jnp.float32)
    lens_b = jnp.dot(lens_f, ones_l,
                     preferred_element_type=jnp.float32)
    pos = lax.broadcasted_iota(jnp.int32, (1, L), 1).astype(jnp.float32)
    sm = jnp.where(pos < lens_b, seqs.astype(jnp.float32),
                   float(CHAR_VOCAB)).astype(jnp.bfloat16)
    col = lax.broadcasted_iota(jnp.int32, (L, L * CHAR_VOCAB), 1)
    row = lax.broadcasted_iota(jnp.int32, (L, L * CHAR_VOCAB), 0)
    p = (col // CHAR_VOCAB == row).astype(jnp.bfloat16)
    ch_all = jnp.dot(sm, p,
                     preferred_element_type=jnp.float32)
    cvec = lax.broadcasted_iota(
        jnp.int32, (1, CHAR_VOCAB), 1).astype(jnp.float32)
    counts_bf = jnp.zeros((V_BLOCK, CHAR_VOCAB), jnp.bfloat16)
    for l in range(L):
        sl = ch_all[:, l * CHAR_VOCAB:(l + 1) * CHAR_VOCAB]
        counts_bf = counts_bf + (sl == cvec).astype(jnp.bfloat16)
    counts = counts_bf.astype(jnp.float32)
    inv1 = 1.0 / lens_f
    inv_b = jnp.dot(inv1, jnp.ones((1, CHAR_DIM), jnp.float32),
                    preferred_element_type=jnp.float32)
    pooled = jnp.dot(counts, ce_ref[...],
                     preferred_element_type=jnp.float32) * inv_b
    out_ref[...] = jnp.dot(pooled, w_ref[...],
                           preferred_element_type=jnp.float32) + b_ref[...]


@functools.lru_cache(maxsize=None)
def _make_table_builder(vocab):
    grid = vocab // V_BLOCK
    return pl.pallas_call(
        _table_body,
        grid=(grid,),
        in_specs=[
            pl.BlockSpec((V_BLOCK, MAX_WORD_LEN), lambda i: (i, 0)),
            pl.BlockSpec((1, 1, V_BLOCK), lambda i: (i, 0, 0)),
            pl.BlockSpec((CHAR_VOCAB, CHAR_DIM), lambda i: (0, 0)),
            pl.BlockSpec((CHAR_DIM, EMBED_SIZE), lambda i: (0, 0)),
            pl.BlockSpec((1, EMBED_SIZE), lambda i: (0, 0)),
        ],
        out_specs=pl.BlockSpec((V_BLOCK, EMBED_SIZE), lambda i: (i, 0)),
        out_shape=jax.ShapeDtypeStruct((vocab, EMBED_SIZE), jnp.float32),
    )


@functools.lru_cache(maxsize=None)
def _make_gather(batch, hist, vocab):
    info = plsc.get_sparse_core_info()
    nw = info.num_cores * info.num_subcores
    group = 5 if hist % 5 == 0 else 1
    n_groups = hist // group
    rows_per_w = batch // nw
    assert batch % nw == 0 and rows_per_w % 8 == 0
    mesh = plsc.VectorSubcoreMesh(core_axis_name="c", subcore_axis_name="s")

    @functools.partial(
        pl.kernel,
        mesh=mesh,
        out_type=jax.ShapeDtypeStruct((hist, batch, EMBED_SIZE), jnp.float32),
        scratch_types=[
            pltpu.VMEM((hist, rows_per_w), jnp.int32),
            pltpu.VMEM((group, rows_per_w, EMBED_SIZE), jnp.float32),
            pltpu.SemaphoreType.DMA,
        ],
    )
    def gather_kernel(idx_hbm, table_hbm, out_hbm, idx_v, rows_v, sem):
        wid = lax.axis_index("s") * info.num_cores + lax.axis_index("c")
        base = wid * rows_per_w
        pltpu.sync_copy(idx_hbm.at[:, pl.ds(base, rows_per_w)], idx_v)

        def group_body(g, carry):
            copies = [
                pltpu.async_copy(
                    table_hbm.at[idx_v.at[g * group + j]], rows_v.at[j], sem)
                for j in range(group)
            ]
            for c in copies:
                c.wait()
            pltpu.sync_copy(
                rows_v,
                out_hbm.at[pl.ds(g * group, group), pl.ds(base, rows_per_w)])
            return carry

        lax.fori_loop(0, n_groups, group_body, 0)

    return gather_kernel


def kernel(word_ids, sequences, sequences_length, char_embed, W, b):
    batch, hist = word_ids.shape
    vocab = sequences.shape[0]
    ids = jnp.asarray(word_ids, jnp.int32)
    seqs = jnp.asarray(sequences, jnp.int32)
    lens = jnp.asarray(sequences_length, jnp.int32).reshape(
        vocab // V_BLOCK, 1, V_BLOCK)
    table = _make_table_builder(vocab)(
        seqs, lens, char_embed, W, b.reshape(1, EMBED_SIZE))
    out_t = _make_gather(batch, hist, vocab)(ids.T, table)
    return jnp.transpose(out_t, (1, 0, 2))

# --- scband reference (transcript-rebuilt; emitter-appended) ---
"""Pipeline reference for scband-custom-embedder-38817914421756 (READ-ONLY COPY).

The authoritative reference and input builder live on the scoring server;
editing this copy changes nothing except your own understanding.
"""

import jax, jax.numpy as jnp
import numpy as np

VOCAB = 100000
MAX_WORD_LEN = 16
CHAR_VOCAB = 128
CHAR_DIM = 64
EMBED_SIZE = 128
BATCH = 4096
HIST = 50


def setup_inputs(seed: int = 0) -> dict:
    key = jax.random.key(seed)
    k1, k2, k3, k4, k5, k6 = jax.random.split(key, 6)
    word_ids = jax.random.randint(k1, (BATCH, HIST), 0, VOCAB, dtype=jnp.int64)
    # per-word character sequences (padded) and their true lengths
    sequences = jax.random.randint(k2, (VOCAB, MAX_WORD_LEN), 0, CHAR_VOCAB, dtype=jnp.int64)
    sequences_length = jax.random.randint(k3, (VOCAB,), 1, MAX_WORD_LEN + 1, dtype=jnp.int64)
    # learned parameters of the network-based encoder
    char_embed = jax.random.normal(k4, (CHAR_VOCAB, CHAR_DIM), dtype=jnp.float32) * 0.02
    W = jax.random.normal(k5, (CHAR_DIM, EMBED_SIZE), dtype=jnp.float32) * 0.02
    b = jax.random.normal(k6, (EMBED_SIZE,), dtype=jnp.float32) * 0.02
    return {
        "word_ids": word_ids,
        "sequences": sequences,
        "sequences_length": sequences_length,
        "char_embed": char_embed,
        "W": W,
        "b": b,
    }


def reference(word_ids, sequences, sequences_length, char_embed, W, b):
    # DummyDataSet.get_letters_and_length: gather per-word char sequences
    shape = word_ids.shape
    flat = word_ids.reshape(-1)                     # [N]
    seqs = jnp.take(sequences, flat, axis=0)        # [N, L]
    lens = jnp.take(sequences_length, flat, axis=0) # [N]
    # NetworkBasedEncoderDecoder.encode: char embedding, masked mean-pool, projection
    emb = jnp.take(char_embed, seqs, axis=0)        # [N, L, D]
    mask = (jnp.arange(MAX_WORD_LEN)[None, :] < lens[:, None]).astype(jnp.float32)
    pooled = jnp.sum(emb * mask[:, :, None], axis=1) / lens[:, None].astype(jnp.float32)
    out = pooled @ W + b                            # [N, E]
    return out.reshape(shape + (EMBED_SIZE,))

if __name__ == "__main__":
    import jax
    _d = setup_inputs()
    print(jax.jit(kernel)(*tuple(_d.values())))

</pallas_src>

<mosaic_0001>
#map = affine_map<(d0, d1) -> (0, 0)>
#map1 = affine_map<(d0, d1) -> (0, 0, 0)>
module attributes {stable_mosaic.version = 14 : i64} {
  func.func @gather_kernel(%arg0: i32, %arg1: i32, %arg2: memref<50x4096xi32, #tpu.memory_space<hbm>>, %arg3: memref<100000x128xf32, #tpu.memory_space<hbm>>, %arg4: memref<50x4096x128xf32, #tpu.memory_space<hbm>>, %arg5: memref<50x128xi32, #tpu.memory_space<vmem>>, %arg6: memref<5x128x128xf32, #tpu.memory_space<vmem>>, %arg7: memref<!tpu.dma_semaphore, #tpu.memory_space<semaphore_mem>>) attributes {dimension_semantics = [#tpu.dimension_semantics<core_parallel>, #tpu.dimension_semantics<subcore_parallel>], iteration_bounds = array<i64: 2, 16>, scalar_prefetch = 0 : i64, scratch_operands = 3 : i64, tpu.core_type = #tpu.core_type<sc_vector_subcore>, window_params = [{transform_indices = #map}, {transform_indices = #map}, {transform_indices = #map1}]} {
    %mul3A = arith.constant 2 : i32
    %mul3A_0 = arith.muli %arg1, %mul3A : i32
    %add3A = arith.addi %mul3A_0, %arg0 : i32
    %mul3A_1 = arith.constant 128 : i32
    %mul3A_2 = arith.muli %add3A, %mul3A_1 : i32
    "tpu.region"() ({
      %run_scoped3A = tpu.sem_alloc : memref<!tpu.dma_semaphore, #tpu.memory_space<semaphore_mem>>
      %dma_start3A = arith.constant 0 : i32
      %dma_start3A_8 = tpu.memref_slice %arg2[%dma_start3A, %mul3A_2] : memref<50x4096xi32, #tpu.memory_space<hbm>> -> memref<50x128xi32, #tpu.memory_space<hbm>>
      %dma_start3A_9 = arith.constant 0 : i32
      %dma_start3A_10 = tpu.memref_slice %arg2[%dma_start3A_9, %mul3A_2] : memref<50x4096xi32, #tpu.memory_space<hbm>> -> memref<50x128xi32, #tpu.memory_space<hbm>>
      tpu.enqueue_dma source(%dma_start3A_10 : memref<50x128xi32, #tpu.memory_space<hbm>>) target(%arg5 : memref<50x128xi32, #tpu.memory_space<vmem>>) target_semaphore(%run_scoped3A : memref<!tpu.dma_semaphore, #tpu.memory_space<semaphore_mem>>)
      %dma_wait3A = arith.constant 0 : i32
      %dma_wait3A_11 = tpu.memref_slice %arg2[%dma_wait3A, %mul3A_2] : memref<50x4096xi32, #tpu.memory_space<hbm>> -> memref<50x128xi32, #tpu.memory_space<hbm>>
      %dma_wait3A_12 = arith.constant 0 : i32
      %dma_wait3A_13 = tpu.memref_slice %arg2[%dma_wait3A_12, %mul3A_2] : memref<50x4096xi32, #tpu.memory_space<hbm>> -> memref<50x128xi32, #tpu.memory_space<hbm>>
      tpu.wait_dma2 semaphore(%run_scoped3A : memref<!tpu.dma_semaphore, #tpu.memory_space<semaphore_mem>>) src(%dma_wait3A_13 : memref<50x128xi32, #tpu.memory_space<hbm>>) dst(%arg5 : memref<50x128xi32, #tpu.memory_space<vmem>>)
      tpu.yield
    }) : () -> ()
    %scan3A = arith.constant 0 : i32
    %scan3A_3 = arith.constant 0 : i32
    %scan3A_4 = arith.constant 10 : i32
    %scan3A_5 = arith.addi %scan3A_3, %scan3A_4 : i32
    %scan3A_6 = arith.constant 1 : i32
    scf.for %scan3A_8 = %scan3A_3 to %scan3A_5 step %scan3A_6  : i32 {
      %mul3A_9 = arith.constant 5 : i32
      %mul3A_10 = arith.muli %scan3A_8, %mul3A_9 : i32
      %add3A_11 = arith.constant 0 : i32
      %add3A_12 = arith.addi %mul3A_10, %add3A_11 : i32
      %dma_start3A = arith.constant 0 : i32
      %dma_start3A_13 = arith.constant 0 : i32
      %dma_start3A_14 = arith.constant 0 : i32
      %dma_start3A_15 = tpu.memref_slice %arg6[%dma_start3A, %dma_start3A_13, %dma_start3A_14] : memref<5x128x128xf32, #tpu.memory_space<vmem>> -> memref<1x128x128xf32, #tpu.memory_space<vmem>>
      %dma_start3A_16 = tpu.memref_squeeze %dma_start3A_15 : memref<1x128x128xf32, #tpu.memory_space<vmem>> -> memref<128x128xf32, #tpu.memory_space<vmem>>
      %dma_start3A_17 = arith.constant 0 : i32
      %dma_start3A_18 = tpu.memref_slice %arg5[%add3A_12, %dma_start3A_17] : memref<50x128xi32, #tpu.memory_space<vmem>> -> memref<1x128xi32, #tpu.memory_space<vmem>>
      %dma_start3A_19 = tpu.memref_squeeze %dma_start3A_18 : memref<1x128xi32, #tpu.memory_space<vmem>> -> memref<128xi32, #tpu.memory_space<vmem>>
      %dma_start3A_20 = arith.constant 0 : i32
      %dma_start3A_21 = arith.constant 0 : i32
      %dma_start3A_22 = tpu.memref_slice %arg3[%dma_start3A_20, %dma_start3A_21] : memref<100000x128xf32, #tpu.memory_space<hbm>> -> memref<100000x128xf32, #tpu.memory_space<hbm>>
      tpu.enqueue_indirect_dma source(%dma_start3A_22 : memref<100000x128xf32, #tpu.memory_space<hbm>>) target(%dma_start3A_16 : memref<128x128xf32, #tpu.memory_space<vmem>>) offsets(%dma_start3A_19 : memref<128xi32, #tpu.memory_space<vmem>>) semaphore(%arg7 : memref<!tpu.dma_semaphore, #tpu.memory_space<semaphore_mem>>)
      %mul3A_23 = arith.constant 5 : i32
      %mul3A_24 = arith.muli %scan3A_8, %mul3A_23 : i32
      %add3A_25 = arith.constant 1 : i32
      %add3A_26 = arith.addi %mul3A_24, %add3A_25 : i32
      %dma_start3A_27 = arith.constant 1 : i32
      %dma_start3A_28 = arith.constant 0 : i32
      %dma_start3A_29 = arith.constant 0 : i32
      %dma_start3A_30 = tpu.memref_slice %arg6[%dma_start3A_27, %dma_start3A_28, %dma_start3A_29] : memref<5x128x128xf32, #tpu.memory_space<vmem>> -> memref<1x128x128xf32, #tpu.memory_space<vmem>>
      %dma_start3A_31 = tpu.memref_squeeze %dma_start3A_30 : memref<1x128x128xf32, #tpu.memory_space<vmem>> -> memref<128x128xf32, #tpu.memory_space<vmem>>
      %dma_start3A_32 = arith.constant 0 : i32
      %dma_start3A_33 = tpu.memref_slice %arg5[%add3A_26, %dma_start3A_32] : memref<50x128xi32, #tpu.memory_space<vmem>> -> memref<1x128xi32, #tpu.memory_space<vmem>>
      %dma_start3A_34 = tpu.memref_squeeze %dma_start3A_33 : memref<1x128xi32, #tpu.memory_space<vmem>> -> memref<128xi32, #tpu.memory_space<vmem>>
      %dma_start3A_35 = arith.constant 0 : i32
      %dma_start3A_36 = arith.constant 0 : i32
      %dma_start3A_37 = tpu.memref_slice %arg3[%dma_start3A_35, %dma_start3A_36] : memref<100000x128xf32, #tpu.memory_space<hbm>> -> memref<100000x128xf32, #tpu.memory_space<hbm>>
      tpu.enqueue_indirect_dma source(%dma_start3A_37 : memref<100000x128xf32, #tpu.memory_space<hbm>>) target(%dma_start3A_31 : memref<128x128xf32, #tpu.memory_space<vmem>>) offsets(%dma_start3A_34 : memref<128xi32, #tpu.memory_space<vmem>>) semaphore(%arg7 : memref<!tpu.dma_semaphore, #tpu.memory_space<semaphore_mem>>)
      %mul3A_38 = arith.constant 5 : i32
      %mul3A_39 = arith.muli %scan3A_8, %mul3A_38 : i32
      %add3A_40 = arith.constant 2 : i32
      %add3A_41 = arith.addi %mul3A_39, %add3A_40 : i32
      %dma_start3A_42 = arith.constant 2 : i32
      %dma_start3A_43 = arith.constant 0 : i32
      %dma_start3A_44 = arith.constant 0 : i32
      %dma_start3A_45 = tpu.memref_slice %arg6[%dma_start3A_42, %dma_start3A_43, %dma_start3A_44] : memref<5x128x128xf32, #tpu.memory_space<vmem>> -> memref<1x128x128xf32, #tpu.memory_space<vmem>>
      %dma_start3A_46 = tpu.memref_squeeze %dma_start3A_45 : memref<1x128x128xf32, #tpu.memory_space<vmem>> -> memref<128x128xf32, #tpu.memory_space<vmem>>
      %dma_start3A_47 = arith.constant 0 : i32
      %dma_start3A_48 = tpu.memref_slice %arg5[%add3A_41, %dma_start3A_47] : memref<50x128xi32, #tpu.memory_space<vmem>> -> memref<1x128xi32, #tpu.memory_space<vmem>>
      %dma_start3A_49 = tpu.memref_squeeze %dma_start3A_48 : memref<1x128xi32, #tpu.memory_space<vmem>> -> memref<128xi32, #tpu.memory_space<vmem>>
      %dma_start3A_50 = arith.constant 0 : i32
      %dma_start3A_51 = arith.constant 0 : i32
      %dma_start3A_52 = tpu.memref_slice %arg3[%dma_start3A_50, %dma_start3A_51] : memref<100000x128xf32, #tpu.memory_space<hbm>> -> memref<100000x128xf32, #tpu.memory_space<hbm>>
      tpu.enqueue_indirect_dma source(%dma_start3A_52 : memref<100000x128xf32, #tpu.memory_space<hbm>>) target(%dma_start3A_46 : memref<128x128xf32, #tpu.memory_space<vmem>>) offsets(%dma_start3A_49 : memref<128xi32, #tpu.memory_space<vmem>>) semaphore(%arg7 : memref<!tpu.dma_semaphore, #tpu.memory_space<semaphore_mem>>)
      %mul3A_53 = arith.constant 5 : i32
      %mul3A_54 = arith.muli %scan3A_8, %mul3A_53 : i32
      %add3A_55 = arith.constant 3 : i32
      %add3A_56 = arith.addi %mul3A_54, %add3A_55 : i32
      %dma_start3A_57 = arith.constant 3 : i32
      %dma_start3A_58 = arith.constant 0 : i32
      %dma_start3A_59 = arith.constant 0 : i32
      %dma_start3A_60 = tpu.memref_slice %arg6[%dma_start3A_57, %dma_start3A_58, %dma_start3A_59] : memref<5x128x128xf32, #tpu.memory_space<vmem>> -> memref<1x128x128xf32, #tpu.memory_space<vmem>>
      %dma_start3A_61 = tpu.memref_squeeze %dma_start3A_60 : memref<1x128x128xf32, #tpu.memory_space<vmem>> -> memref<128x128xf32, #tpu.memory_space<vmem>>
      %dma_start3A_62 = arith.constant 0 : i32
      %dma_start3A_63 = tpu.memref_slice %arg5[%add3A_56, %dma_start3A_62] : memref<50x128xi32, #tpu.memory_space<vmem>> -> memref<1x128xi32, #tpu.memory_space<vmem>>
      %dma_start3A_64 = tpu.memref_squeeze %dma_start3A_63 : memref<1x128xi32, #tpu.memory_space<vmem>> -> memref<128xi32, #tpu.memory_space<vmem>>
      %dma_start3A_65 = arith.constant 0 : i32
      %dma_start3A_66 = arith.constant 0 : i32
      %dma_start3A_67 = tpu.memref_slice %arg3[%dma_start3A_65, %dma_start3A_66] : memref<100000x128xf32, #tpu.memory_space<hbm>> -> memref<100000x128xf32, #tpu.memory_space<hbm>>
      tpu.enqueue_indirect_dma source(%dma_start3A_67 : memref<100000x128xf32, #tpu.memory_space<hbm>>) target(%dma_start3A_61 : memref<128x128xf32, #tpu.memory_space<vmem>>) offsets(%dma_start3A_64 : memref<128xi32, #tpu.memory_space<vmem>>) semaphore(%arg7 : memref<!tpu.dma_semaphore, #tpu.memory_space<semaphore_mem>>)
      %mul3A_68 = arith.constant 5 : i32
      %mul3A_69 = arith.muli %scan3A_8, %mul3A_68 : i32
      %add3A_70 = arith.constant 4 : i32
      %add3A_71 = arith.addi %mul3A_69, %add3A_70 : i32
      %dma_start3A_72 = arith.constant 4 : i32
      %dma_start3A_73 = arith.constant 0 : i32
      %dma_start3A_74 = arith.constant 0 : i32
      %dma_start3A_75 = tpu.memref_slice %arg6[%dma_start3A_72, %dma_start3A_73, %dma_start3A_74] : memref<5x128x128xf32, #tpu.memory_space<vmem>> -> memref<1x128x128xf32, #tpu.memory_space<vmem>>
      %dma_start3A_76 = tpu.memref_squeeze %dma_start3A_75 : memref<1x128x128xf32, #tpu.memory_space<vmem>> -> memref<128x128xf32, #tpu.memory_space<vmem>>
      %dma_start3A_77 = arith.constant 0 : i32
      %dma_start3A_78 = tpu.memref_slice %arg5[%add3A_71, %dma_start3A_77] : memref<50x128xi32, #tpu.memory_space<vmem>> -> memref<1x128xi32, #tpu.memory_space<vmem>>
      %dma_start3A_79 = tpu.memref_squeeze %dma_start3A_78 : memref<1x128xi32, #tpu.memory_space<vmem>> -> memref<128xi32, #tpu.memory_space<vmem>>
      %dma_start3A_80 = arith.constant 0 : i32
      %dma_start3A_81 = arith.constant 0 : i32
      %dma_start3A_82 = tpu.memref_slice %arg3[%dma_start3A_80, %dma_start3A_81] : memref<100000x128xf32, #tpu.memory_space<hbm>> -> memref<100000x128xf32, #tpu.memory_space<hbm>>
      tpu.enqueue_indirect_dma source(%dma_start3A_82 : memref<100000x128xf32, #tpu.memory_space<hbm>>) target(%dma_start3A_76 : memref<128x128xf32, #tpu.memory_space<vmem>>) offsets(%dma_start3A_79 : memref<128xi32, #tpu.memory_space<vmem>>) semaphore(%arg7 : memref<!tpu.dma_semaphore, #tpu.memory_space<semaphore_mem>>)
      %dma_wait3A = arith.constant 0 : i32
      %dma_wait3A_83 = arith.constant 0 : i32
      %dma_wait3A_84 = arith.constant 0 : i32
      %dma_wait3A_85 = tpu.memref_slice %arg6[%dma_wait3A, %dma_wait3A_83, %dma_wait3A_84] : memref<5x128x128xf32, #tpu.memory_space<vmem>> -> memref<1x128x128xf32, #tpu.memory_space<vmem>>
      %dma_wait3A_86 = tpu.memref_squeeze %dma_wait3A_85 : memref<1x128x128xf32, #tpu.memory_space<vmem>> -> memref<128x128xf32, #tpu.memory_space<vmem>>
      %dma_wait3A_87 = arith.constant 0 : i32
      %dma_wait3A_88 = tpu.memref_slice %arg5[%add3A_12, %dma_wait3A_87] : memref<50x128xi32, #tpu.memory_space<vmem>> -> memref<1x128xi32, #tpu.memory_space<vmem>>
      %dma_wait3A_89 = tpu.memref_squeeze %dma_wait3A_88 : memref<1x128xi32, #tpu.memory_space<vmem>> -> memref<128xi32, #tpu.memory_space<vmem>>
      %dma_wait3A_90 = arith.constant 0 : i32
      %dma_wait3A_91 = arith.constant 0 : i32
      %dma_wait3A_92 = tpu.memref_slice %arg3[%dma_wait3A_90, %dma_wait3A_91] : memref<100000x128xf32, #tpu.memory_space<hbm>> -> memref<100000x128xf32, #tpu.memory_space<hbm>>
      tpu.wait_indirect_dma semaphore(%arg7 : memref<!tpu.dma_semaphore, #tpu.memory_space<semaphore_mem>>) src(%dma_wait3A_92 : memref<100000x128xf32, #tpu.memory_space<hbm>>) dst(%dma_wait3A_86 : memref<128x128xf32, #tpu.memory_space<vmem>>)
      %dma_wait3A_93 = arith.constant 1 : i32
      %dma_wait3A_94 = arith.constant 0 : i32
      %dma_wait3A_95 = arith.constant 0 : i32
      %dma_wait3A_96 = tpu.memref_slice %arg6[%dma_wait3A_93, %dma_wait3A_94, %dma_wait3A_95] : memref<5x128x128xf32, #tpu.memory_space<vmem>> -> memref<1x128x128xf32, #tpu.memory_space<vmem>>
      %dma_wait3A_97 = tpu.memref_squeeze %dma_wait3A_96 : memref<1x128x128xf32, #tpu.memory_space<vmem>> -> memref<128x128xf32, #tpu.memory_space<vmem>>
      %dma_wait3A_98 = arith.constant 0 : i32
      %dma_wait3A_99 = tpu.memref_slice %arg5[%add3A_26, %dma_wait3A_98] : memref<50x128xi32, #tpu.memory_space<vmem>> -> memref<1x128xi32, #tpu.memory_space<vmem>>
      %dma_wait3A_100 = tpu.memref_squeeze %dma_wait3A_99 : memref<1x128xi32, #tpu.memory_space<vmem>> -> memref<128xi32, #tpu.memory_space<vmem>>
      %dma_wait3A_101 = arith.constant 0 : i32
      %dma_wait3A_102 = arith.constant 0 : i32
      %dma_wait3A_103 = tpu.memref_slice %arg3[%dma_wait3A_101, %dma_wait3A_102] : memref<100000x128xf32, #tpu.memory_space<hbm>> -> memref<100000x128xf32, #tpu.memory_space<hbm>>
      tpu.wait_indirect_dma semaphore(%arg7 : memref<!tpu.dma_semaphore, #tpu.memory_space<semaphore_mem>>) src(%dma_wait3A_103 : memref<100000x128xf32, #tpu.memory_space<hbm>>) dst(%dma_wait3A_97 : memref<128x128xf32, #tpu.memory_space<vmem>>)
      %dma_wait3A_104 = arith.constant 2 : i32
      %dma_wait3A_105 = arith.constant 0 : i32
      %dma_wait3A_106 = arith.constant 0 : i32
      %dma_wait3A_107 = tpu.memref_slice %arg6[%dma_wait3A_104, %dma_wait3A_105, %dma_wait3A_106] : memref<5x128x128xf32, #tpu.memory_space<vmem>> -> memref<1x128x128xf32, #tpu.memory_space<vmem>>
      %dma_wait3A_108 = tpu.memref_squeeze %dma_wait3A_107 : memref<1x128x128xf32, #tpu.memory_space<vmem>> -> memref<128x128xf32, #tpu.memory_space<vmem>>
      %dma_wait3A_109 = arith.constant 0 : i32
      %dma_wait3A_110 = tpu.memref_slice %arg5[%add3A_41, %dma_wait3A_109] : memref<50x128xi32, #tpu.memory_space<vmem>> -> memref<1x128xi32, #tpu.memory_space<vmem>>
      %dma_wait3A_111 = tpu.memref_squeeze %dma_wait3A_110 : memref<1x128xi32, #tpu.memory_space<vmem>> -> memref<128xi32, #tpu.memory_space<vmem>>
      %dma_wait3A_112 = arith.constant 0 : i32
      %dma_wait3A_113 = arith.constant 0 : i32
      %dma_wait3A_114 = tpu.memref_slice %arg3[%dma_wait3A_112, %dma_wait3A_113] : memref<100000x128xf32, #tpu.memory_space<hbm>> -> memref<100000x128xf32, #tpu.memory_space<hbm>>
      tpu.wait_indirect_dma semaphore(%arg7 : memref<!tpu.dma_semaphore, #tpu.memory_space<semaphore_mem>>) src(%dma_wait3A_114 : memref<100000x128xf32, #tpu.memory_space<hbm>>) dst(%dma_wait3A_108 : memref<128x128xf32, #tpu.memory_space<vmem>>)
      %dma_wait3A_115 = arith.constant 3 : i32
      %dma_wait3A_116 = arith.constant 0 : i32
      %dma_wait3A_117 = arith.constant 0 : i32
      %dma_wait3A_118 = tpu.memref_slice %arg6[%dma_wait3A_115, %dma_wait3A_116, %dma_wait3A_117] : memref<5x128x128xf32, #tpu.memory_space<vmem>> -> memref<1x128x128xf32, #tpu.memory_space<vmem>>
      %dma_wait3A_119 = tpu.memref_squeeze %dma_wait3A_118 : memref<1x128x128xf32, #tpu.memory_space<vmem>> -> memref<128x128xf32, #tpu.memory_space<vmem>>
      %dma_wait3A_120 = arith.constant 0 : i32
      %dma_wait3A_121 = tpu.memref_slice %arg5[%add3A_56, %dma_wait3A_120] : memref<50x128xi32, #tpu.memory_space<vmem>> -> memref<1x128xi32, #tpu.memory_space<vmem>>
      %dma_wait3A_122 = tpu.memref_squeeze %dma_wait3A_121 : memref<1x128xi32, #tpu.memory_space<vmem>> -> memref<128xi32, #tpu.memory_space<vmem>>
      %dma_wait3A_123 = arith.constant 0 : i32
      %dma_wait3A_124 = arith.constant 0 : i32
      %dma_wait3A_125 = tpu.memref_slice %arg3[%dma_wait3A_123, %dma_wait3A_124] : memref<100000x128xf32, #tpu.memory_space<hbm>> -> memref<100000x128xf32, #tpu.memory_space<hbm>>
      tpu.wait_indirect_dma semaphore(%arg7 : memref<!tpu.dma_semaphore, #tpu.memory_space<semaphore_mem>>) src(%dma_wait3A_125 : memref<100000x128xf32, #tpu.memory_space<hbm>>) dst(%dma_wait3A_119 : memref<128x128xf32, #tpu.memory_space<vmem>>)
      %dma_wait3A_126 = arith.constant 4 : i32
      %dma_wait3A_127 = arith.constant 0 : i32
      %dma_wait3A_128 = arith.constant 0 : i32
      %dma_wait3A_129 = tpu.memref_slice %arg6[%dma_wait3A_126, %dma_wait3A_127, %dma_wait3A_128] : memref<5x128x128xf32, #tpu.memory_space<vmem>> -> memref<1x128x128xf32, #tpu.memory_space<vmem>>
      %dma_wait3A_130 = tpu.memref_squeeze %dma_wait3A_129 : memref<1x128x128xf32, #tpu.memory_space<vmem>> -> memref<128x128xf32, #tpu.memory_space<vmem>>
      %dma_wait3A_131 = arith.constant 0 : i32
      %dma_wait3A_132 = tpu.memref_slice %arg5[%add3A_71, %dma_wait3A_131] : memref<50x128xi32, #tpu.memory_space<vmem>> -> memref<1x128xi32, #tpu.memory_space<vmem>>
      %dma_wait3A_133 = tpu.memref_squeeze %dma_wait3A_132 : memref<1x128xi32, #tpu.memory_space<vmem>> -> memref<128xi32, #tpu.memory_space<vmem>>
      %dma_wait3A_134 = arith.constant 0 : i32
      %dma_wait3A_135 = arith.constant 0 : i32
      %dma_wait3A_136 = tpu.memref_slice %arg3[%dma_wait3A_134, %dma_wait3A_135] : memref<100000x128xf32, #tpu.memory_space<hbm>> -> memref<100000x128xf32, #tpu.memory_space<hbm>>
      tpu.wait_indirect_dma semaphore(%arg7 : memref<!tpu.dma_semaphore, #tpu.memory_space<semaphore_mem>>) src(%dma_wait3A_136 : memref<100000x128xf32, #tpu.memory_space<hbm>>) dst(%dma_wait3A_130 : memref<128x128xf32, #tpu.memory_space<vmem>>)
      %mul3A_137 = arith.constant 5 : i32
      %mul3A_138 = arith.muli %scan3A_8, %mul3A_137 : i32
      "tpu.region"() ({
        %run_scoped3A = tpu.sem_alloc : memref<!tpu.dma_semaphore, #tpu.memory_space<semaphore_mem>>
        %dma_start3A_139 = arith.constant 0 : i32
        %dma_start3A_140 = tpu.memref_slice %arg4[%mul3A_138, %mul3A_2, %dma_start3A_139] : memref<50x4096x128xf32, #tpu.memory_space<hbm>> -> memref<5x128x128xf32, #tpu.memory_space<hbm>>
        %dma_start3A_141 = arith.constant 0 : i32
        %dma_start3A_142 = tpu.memref_slice %arg4[%mul3A_138, %mul3A_2, %dma_start3A_141] : memref<50x4096x128xf32, #tpu.memory_space<hbm>> -> memref<5x128x128xf32, #tpu.memory_space<hbm>>
        tpu.enqueue_dma source(%arg6 : memref<5x128x128xf32, #tpu.memory_space<vmem>>) target(%dma_start3A_142 : memref<5x128x128xf32, #tpu.memory_space<hbm>>) target_semaphore(%run_scoped3A : memref<!tpu.dma_semaphore, #tpu.memory_space<semaphore_mem>>)
        %dma_wait3A_143 = arith.constant 0 : i32
        %dma_wait3A_144 = tpu.memref_slice %arg4[%mul3A_138, %mul3A_2, %dma_wait3A_143] : memref<50x4096x128xf32, #tpu.memory_space<hbm>> -> memref<5x128x128xf32, #tpu.memory_space<hbm>>
        %dma_wait3A_145 = arith.constant 0 : i32
        %dma_wait3A_146 = tpu.memref_slice %arg4[%mul3A_138, %mul3A_2, %dma_wait3A_145] : memref<50x4096x128xf32, #tpu.memory_space<hbm>> -> memref<5x128x128xf32, #tpu.memory_space<hbm>>
        tpu.wait_dma2 semaphore(%run_scoped3A : memref<!tpu.dma_semaphore, #tpu.memory_space<semaphore_mem>>) src(%arg6 : memref<5x128x128xf32, #tpu.memory_space<vmem>>) dst(%dma_wait3A_146 : memref<5x128x128xf32, #tpu.memory_space<hbm>>)
        tpu.yield
      }) : () -> ()
    }
    %scan3A_7 = arith.constant 10 : i32
    return
  }
}

module attributes {stable_mosaic.version = 14 : i64} {
  func.func @_table_body(%arg0: i32, %arg1: memref<4000x16xi32, #tpu.memory_space<vmem>>, %arg2: memref<1x1x4000xi32, #tpu.memory_space<vmem>>, %arg3: memref<128x64xf32, #tpu.memory_space<vmem>>, %arg4: memref<64x128xf32, #tpu.memory_space<vmem>>, %arg5: memref<1x128xf32, #tpu.memory_space<vmem>>, %arg6: memref<4000x128xf32, #tpu.memory_space<vmem>>) attributes {dimension_semantics = [#tpu.dimension_semantics<arbitrary>], iteration_bounds = array<i64: 25>, scalar_prefetch = 0 : i64, scratch_operands = 0 : i64, tpu.core_type = #tpu.core_type<tc>, window_params = [{transform_indices = @transform_0, window_bounds = array<i64: 4000, 16>}, {transform_indices = @transform_1, window_bounds = array<i64: 1, 1, 4000>}, {pipeline_mode = #tpu.pipeline_mode<synchronous>, transform_indices = @transform_2, window_bounds = array<i64: 128, 64>}, {pipeline_mode = #tpu.pipeline_mode<synchronous>, transform_indices = @transform_3, window_bounds = array<i64: 64, 128>}, {pipeline_mode = #tpu.pipeline_mode<synchronous>, transform_indices = @transform_4, window_bounds = array<i64: 1, 128>}, {transform_indices = @transform_5, window_bounds = array<i64: 4000, 128>}]} {
    %get3A = arith.constant 0 : index
    %get3A_0 = arith.constant 0 : index
    %get3A_1 = vector.load %arg1[%get3A, %get3A_0] : memref<4000x16xi32, #tpu.memory_space<vmem>>, vector<4000x16xi32>
    %get3A_2 = arith.constant 0 : index
    %get3A_3 = arith.constant 0 : index
    %get3A_4 = arith.constant 0 : index
    %get3A_5 = vector.load %arg2[%get3A_2, %get3A_3, %get3A_4] : memref<1x1x4000xi32, #tpu.memory_space<vmem>>, vector<1x1x4000xi32>
    %reshape3A = vector.shape_cast %get3A_5 : vector<1x1x4000xi32> to vector<4000x1xi32>
    %convert_element_type3A = arith.sitofp %reshape3A : vector<4000x1xi32> to vector<4000x1xf32>
    %broadcast_in_dim3A = arith.constant 1.000000e+00 : f32
    %broadcast_in_dim3A_6 = vector.broadcast %broadcast_in_dim3A : f32 to vector<1x16xf32>
    %dot_general3A = arith.constant dense<0.000000e+00> : vector<4000x16xf32>
    %dot_general3A_7 = tpu.matmul %convert_element_type3A, %broadcast_in_dim3A_6, %dot_general3A {dimension_numbers = #tpu.dot_dimension_numbers<[1], [0], [0], [1], [0, 0, 1, 1], [], []>, transpose_lhs_hint = false} : vector<4000x1xf32>, vector<1x16xf32>, vector<4000x16xf32> -> vector<4000x16xf32>
    %iota3A = tpu.iota {dimensions = array<i32: 1>} : vector<1x16xi32>
    %convert_element_type3A_8 = arith.sitofp %iota3A : vector<1x16xi32> to vector<1x16xf32>
    %lt3A = vector.broadcast %convert_element_type3A_8 : vector<1x16xf32> to vector<4000x16xf32>
    %lt3A_9 = arith.cmpf olt, %lt3A, %dot_general3A_7 : vector<4000x16xf32>
    %convert_element_type3A_10 = arith.sitofp %get3A_1 : vector<4000x16xi32> to vector<4000x16xf32>
    %jit3A = arith.constant 1.280000e+02 : f32
    %broadcast_in_dim3A_11 = vector.broadcast %jit3A : f32 to vector<4000x16xf32>
    %select_n3A = arith.select %lt3A_9, %convert_element_type3A_10, %broadcast_in_dim3A_11 : vector<4000x16xi1>, vector<4000x16xf32>
    %convert_element_type3A_12 = arith.truncf %select_n3A : vector<4000x16xf32> to vector<4000x16xbf16>
    %iota3A_13 = tpu.iota {dimensions = array<i32: 1>} : vector<16x2048xi32>
    %iota3A_14 = tpu.iota {dimensions = array<i32: 0>} : vector<16x2048xi32>
    %jit3A_15 = arith.constant 128 : i32
    %div3A = vector.broadcast %jit3A_15 : i32 to vector<16x2048xi32>
    %div3A_16 = arith.divsi %iota3A_13, %div3A : vector<16x2048xi32>
    %sign3A = arith.constant 0 : i32
    %sign3A_17 = vector.broadcast %sign3A : i32 to vector<16x2048xi32>
    %sign3A_18 = arith.cmpi sgt, %iota3A_13, %sign3A_17 : vector<16x2048xi32>
    %sign3A_19 = arith.extui %sign3A_18 : vector<16x2048xi1> to vector<16x2048xi32>
    %sign3A_20 = arith.constant 0 : i32
    %sign3A_21 = vector.broadcast %sign3A_20 : i32 to vector<16x2048xi32>
    %sign3A_22 = arith.cmpi slt, %iota3A_13, %sign3A_21 : vector<16x2048xi32>
    %sign3A_23 = arith.extui %sign3A_22 : vector<16x2048xi1> to vector<16x2048xi32>
    %sign3A_24 = arith.subi %sign3A_19, %sign3A_23 : vector<16x2048xi32>
    %sign3A_25 = arith.constant 0 : i32
    %sign3A_26 = arith.cmpi sgt, %jit3A_15, %sign3A_25 : i32
    %sign3A_27 = arith.extui %sign3A_26 : i1 to i32
    %sign3A_28 = arith.constant 0 : i32
    %sign3A_29 = arith.cmpi slt, %jit3A_15, %sign3A_28 : i32
    %sign3A_30 = arith.extui %sign3A_29 : i1 to i32
    %sign3A_31 = arith.subi %sign3A_27, %sign3A_30 : i32
    %ne3A = vector.broadcast %sign3A_31 : i32 to vector<16x2048xi32>
    %ne3A_32 = arith.cmpi ne, %sign3A_24, %ne3A : vector<16x2048xi32>
    %rem3A = vector.broadcast %jit3A_15 : i32 to vector<16x2048xi32>
    %rem3A_33 = arith.remsi %iota3A_13, %rem3A : vector<16x2048xi32>
    %ne3A_34 = arith.constant 0 : i32
    %ne3A_35 = vector.broadcast %ne3A_34 : i32 to vector<16x2048xi32>
    %ne3A_36 = arith.cmpi ne, %rem3A_33, %ne3A_35 : vector<16x2048xi32>
    %and3A = arith.andi %ne3A_32, %ne3A_36 : vector<16x2048xi1>
    %sub3A = arith.constant 1 : i32
    %sub3A_37 = vector.broadcast %sub3A : i32 to vector<16x2048xi32>
    %sub3A_38 = arith.subi %div3A_16, %sub3A_37 : vector<16x2048xi32>
    %select_n3A_39 = arith.select %and3A, %sub3A_38, %div3A_16 : vector<16x2048xi1>, vector<16x2048xi32>
    %eq3A = arith.cmpi eq, %select_n3A_39, %iota3A_14 : vector<16x2048xi32>
    %convert_element_type3A_40 = arith.extui %eq3A : vector<16x2048xi1> to vector<16x2048xi32>
    %convert_element_type3A_41 = arith.sitofp %convert_element_type3A_40 : vector<16x2048xi32> to vector<16x2048xf32>
    %convert_element_type3A_42 = arith.truncf %convert_element_type3A_41 : vector<16x2048xf32> to vector<16x2048xbf16>
    %dot_general3A_43 = arith.constant dense<0.000000e+00> : vector<4000x2048xf32>
    %dot_general3A_44 = tpu.matmul %convert_element_type3A_12, %convert_element_type3A_42, %dot_general3A_43 {dimension_numbers = #tpu.dot_dimension_numbers<[1], [0], [0], [1], [0, 0, 1, 1], [], []>, transpose_lhs_hint = false} : vector<4000x16xbf16>, vector<16x2048xbf16>, vector<4000x2048xf32> -> vector<4000x2048xf32>
    %iota3A_45 = tpu.iota {dimensions = array<i32: 1>} : vector<1x128xi32>
    %convert_element_type3A_46 = arith.sitofp %iota3A_45 : vector<1x128xi32> to vector<1x128xf32>
    %broadcast_in_dim3A_47 = arith.constant 0.000000e+00 : bf16
    %broadcast_in_dim3A_48 = vector.broadcast %broadcast_in_dim3A_47 : bf16 to vector<4000x128xbf16>
    %slice3A = vector.extract_strided_slice %dot_general3A_44 {offsets = [0, 0], sizes = [4000, 128], strides = [1, 1]} : vector<4000x2048xf32> to vector<4000x128xf32>
    %eq3A_49 = vector.broadcast %convert_element_type3A_46 : vector<1x128xf32> to vector<4000x128xf32>
    %eq3A_50 = arith.cmpf oeq, %slice3A, %eq3A_49 : vector<4000x128xf32>
    %convert_element_type3A_51 = arith.extui %eq3A_50 : vector<4000x128xi1> to vector<4000x128xi32>
    %convert_element_type3A_52 = arith.sitofp %convert_element_type3A_51 : vector<4000x128xi32> to vector<4000x128xf32>
    %convert_element_type3A_53 = arith.truncf %convert_element_type3A_52 : vector<4000x128xf32> to vector<4000x128xbf16>
    %add3A = arith.addf %broadcast_in_dim3A_48, %convert_element_type3A_53 : vector<4000x128xbf16>
    %slice3A_54 = vector.extract_strided_slice %dot_general3A_44 {offsets = [0, 128], sizes = [4000, 128], strides = [1, 1]} : vector<4000x2048xf32> to vector<4000x128xf32>
    %eq3A_55 = vector.broadcast %convert_element_type3A_46 : vector<1x128xf32> to vector<4000x128xf32>
    %eq3A_56 = arith.cmpf oeq, %slice3A_54, %eq3A_55 : vector<4000x128xf32>
    %convert_element_type3A_57 = arith.extui %eq3A_56 : vector<4000x128xi1> to vector<4000x128xi32>
    %convert_element_type3A_58 = arith.sitofp %convert_element_type3A_57 : vector<4000x128xi32> to vector<4000x128xf32>
    %convert_element_type3A_59 = arith.truncf %convert_element_type3A_58 : vector<4000x128xf32> to vector<4000x128xbf16>
    %add3A_60 = arith.addf %add3A, %convert_element_type3A_59 : vector<4000x128xbf16>
    %slice3A_61 = vector.extract_strided_slice %dot_general3A_44 {offsets = [0, 256], sizes = [4000, 128], strides = [1, 1]} : vector<4000x2048xf32> to vector<4000x128xf32>
    %eq3A_62 = vector.broadcast %convert_element_type3A_46 : vector<1x128xf32> to vector<4000x128xf32>
    %eq3A_63 = arith.cmpf oeq, %slice3A_61, %eq3A_62 : vector<4000x128xf32>
    %convert_element_type3A_64 = arith.extui %eq3A_63 : vector<4000x128xi1> to vector<4000x128xi32>
    %convert_element_type3A_65 = arith.sitofp %convert_element_type3A_64 : vector<4000x128xi32> to vector<4000x128xf32>
    %convert_element_type3A_66 = arith.truncf %convert_element_type3A_65 : vector<4000x128xf32> to vector<4000x128xbf16>
    %add3A_67 = arith.addf %add3A_60, %convert_element_type3A_66 : vector<4000x128xbf16>
    %slice3A_68 = vector.extract_strided_slice %dot_general3A_44 {offsets = [0, 384], sizes = [4000, 128], strides = [1, 1]} : vector<4000x2048xf32> to vector<4000x128xf32>
    %eq3A_69 = vector.broadcast %convert_element_type3A_46 : vector<1x128xf32> to vector<4000x128xf32>
    %eq3A_70 = arith.cmpf oeq, %slice3A_68, %eq3A_69 : vector<4000x128xf32>
    %convert_element_type3A_71 = arith.extui %eq3A_70 : vector<4000x128xi1> to vector<4000x128xi32>
    %convert_element_type3A_72 = arith.sitofp %convert_element_type3A_71 : vector<4000x128xi32> to vector<4000x128xf32>
    %convert_element_type3A_73 = arith.truncf %convert_element_type3A_72 : vector<4000x128xf32> to vector<4000x128xbf16>
    %add3A_74 = arith.addf %add3A_67, %convert_element_type3A_73 : vector<4000x128xbf16>
    %slice3A_75 = vector.extract_strided_slice %dot_general3A_44 {offsets = [0, 512], sizes = [4000, 128], strides = [1, 1]} : vector<4000x2048xf32> to vector<4000x128xf32>
    %eq3A_76 = vector.broadcast %convert_element_type3A_46 : vector<1x128xf32> to vector<4000x128xf32>
    %eq3A_77 = arith.cmpf oeq, %slice3A_75, %eq3A_76 : vector<4000x128xf32>
    %convert_element_type3A_78 = arith.extui %eq3A_77 : vector<4000x128xi1> to vector<4000x128xi32>
    %convert_element_type3A_79 = arith.sitofp %convert_element_type3A_78 : vector<4000x128xi32> to vector<4000x128xf32>
    %convert_element_type3A_80 = arith.truncf %convert_element_type3A_79 : vector<4000x128xf32> to vector<4000x128xbf16>
    %add3A_81 = arith.addf %add3A_74, %convert_element_type3A_80 : vector<4000x128xbf16>
    %slice3A_82 = vector.extract_strided_slice %dot_general3A_44 {offsets = [0, 640], sizes = [4000, 128], strides = [1, 1]} : vector<4000x2048xf32> to vector<4000x128xf32>
    %eq3A_83 = vector.broadcast %convert_element_type3A_46 : vector<1x128xf32> to vector<4000x128xf32>
    %eq3A_84 = arith.cmpf oeq, %slice3A_82, %eq3A_83 : vector<4000x128xf32>
    %convert_element_type3A_85 = arith.extui %eq3A_84 : vector<4000x128xi1> to vector<4000x128xi32>
    %convert_element_type3A_86 = arith.sitofp %convert_element_type3A_85 : vector<4000x128xi32> to vector<4000x128xf32>
    %convert_element_type3A_87 = arith.truncf %convert_element_type3A_86 : vector<4000x128xf32> to vector<4000x128xbf16>
    %add3A_88 = arith.addf %add3A_81, %convert_element_type3A_87 : vector<4000x128xbf16>
    %slice3A_89 = vector.extract_strided_slice %dot_general3A_44 {offsets = [0, 768], sizes = [4000, 128], strides = [1, 1]} : vector<4000x2048xf32> to vector<4000x128xf32>
    %eq3A_90 = vector.broadcast %convert_element_type3A_46 : vector<1x128xf32> to vector<4000x128xf32>
    %eq3A_91 = arith.cmpf oeq, %slice3A_89, %eq3A_90 : vector<4000x128xf32>
    %convert_element_type3A_92 = arith.extui %eq3A_91 : vector<4000x128xi1> to vector<4000x128xi32>
    %convert_element_type3A_93 = arith.sitofp %convert_element_type3A_92 : vector<4000x128xi32> to vector<4000x128xf32>
    %convert_element_type3A_94 = arith.truncf %convert_element_type3A_93 : vector<4000x128xf32> to vector<4000x128xbf16>
    %add3A_95 = arith.addf %add3A_88, %convert_element_type3A_94 : vector<4000x128xbf16>
    %slice3A_96 = vector.extract_strided_slice %dot_general3A_44 {offsets = [0, 896], sizes = [4000, 128], strides = [1, 1]} : vector<4000x2048xf32> to vector<4000x128xf32>
    %eq3A_97 = vector.broadcast %convert_element_type3A_46 : vector<1x128xf32> to vector<4000x128xf32>
    %eq3A_98 = arith.cmpf oeq, %slice3A_96, %eq3A_97 : vector<4000x128xf32>
    %convert_element_type3A_99 = arith.extui %eq3A_98 : vector<4000x128xi1> to vector<4000x128xi32>
    %convert_element_type3A_100 = arith.sitofp %convert_element_type3A_99 : vector<4000x128xi32> to vector<4000x128xf32>
    %convert_element_type3A_101 = arith.truncf %convert_element_type3A_100 : vector<4000x128xf32> to vector<4000x128xbf16>
    %add3A_102 = arith.addf %add3A_95, %convert_element_type3A_101 : vector<4000x128xbf16>
    %slice3A_103 = vector.extract_strided_slice %dot_general3A_44 {offsets = [0, 1024], sizes = [4000, 128], strides = [1, 1]} : vector<4000x2048xf32> to vector<4000x128xf32>
    %eq3A_104 = vector.broadcast %convert_element_type3A_46 : vector<1x128xf32> to vector<4000x128xf32>
    %eq3A_105 = arith.cmpf oeq, %slice3A_103, %eq3A_104 : vector<4000x128xf32>
    %convert_element_type3A_106 = arith.extui %eq3A_105 : vector<4000x128xi1> to vector<4000x128xi32>
    %convert_element_type3A_107 = arith.sitofp %convert_element_type3A_106 : vector<4000x128xi32> to vector<4000x128xf32>
    %convert_element_type3A_108 = arith.truncf %convert_element_type3A_107 : vector<4000x128xf32> to vector<4000x128xbf16>
    %add3A_109 = arith.addf %add3A_102, %convert_element_type3A_108 : vector<4000x128xbf16>
    %slice3A_110 = vector.extract_strided_slice %dot_general3A_44 {offsets = [0, 1152], sizes = [4000, 128], strides = [1, 1]} : vector<4000x2048xf32> to vector<4000x128xf32>
    %eq3A_111 = vector.broadcast %convert_element_type3A_46 : vector<1x128xf32> to vector<4000x128xf32>
    %eq3A_112 = arith.cmpf oeq, %slice3A_110, %eq3A_111 : vector<4000x128xf32>
    %convert_element_type3A_113 = arith.extui %eq3A_112 : vector<4000x128xi1> to vector<4000x128xi32>
    %convert_element_type3A_114 = arith.sitofp %convert_element_type3A_113 : vector<4000x128xi32> to vector<4000x128xf32>
    %convert_element_type3A_115 = arith.truncf %convert_element_type3A_114 : vector<4000x128xf32> to vector<4000x128xbf16>
    %add3A_116 = arith.addf %add3A_109, %convert_element_type3A_115 : vector<4000x128xbf16>
    %slice3A_117 = vector.extract_strided_slice %dot_general3A_44 {offsets = [0, 1280], sizes = [4000, 128], strides = [1, 1]} : vector<4000x2048xf32> to vector<4000x128xf32>
    %eq3A_118 = vector.broadcast %convert_element_type3A_46 : vector<1x128xf32> to vector<4000x128xf32>
    %eq3A_119 = arith.cmpf oeq, %slice3A_117, %eq3A_118 : vector<4000x128xf32>
    %convert_element_type3A_120 = arith.extui %eq3A_119 : vector<4000x128xi1> to vector<4000x128xi32>
    %convert_element_type3A_121 = arith.sitofp %convert_element_type3A_120 : vector<4000x128xi32> to vector<4000x128xf32>
    %convert_element_type3A_122 = arith.truncf %convert_element_type3A_121 : vector<4000x128xf32> to vector<4000x128xbf16>
    %add3A_123 = arith.addf %add3A_116, %convert_element_type3A_122 : vector<4000x128xbf16>
    %slice3A_124 = vector.extract_strided_slice %dot_general3A_44 {offsets = [0, 1408], sizes = [4000, 128], strides = [1, 1]} : vector<4000x2048xf32> to vector<4000x128xf32>
    %eq3A_125 = vector.broadcast %convert_element_type3A_46 : vector<1x128xf32> to vector<4000x128xf32>
    %eq3A_126 = arith.cmpf oeq, %slice3A_124, %eq3A_125 : vector<4000x128xf32>
    %convert_element_type3A_127 = arith.extui %eq3A_126 : vector<4000x128xi1> to vector<4000x128xi32>
    %convert_element_type3A_128 = arith.sitofp %convert_element_type3A_127 : vector<4000x128xi32> to vector<4000x128xf32>
    %convert_element_type3A_129 = arith.truncf %convert_element_type3A_128 : vector<4000x128xf32> to vector<4000x128xbf16>
    %add3A_130 = arith.addf %add3A_123, %convert_element_type3A_129 : vector<4000x128xbf16>
    %slice3A_131 = vector.extract_strided_slice %dot_general3A_44 {offsets = [0, 1536], sizes = [4000, 128], strides = [1, 1]} : vector<4000x2048xf32> to vector<4000x128xf32>
    %eq3A_132 = vector.broadcast %convert_element_type3A_46 : vector<1x128xf32> to vector<4000x128xf32>
    %eq3A_133 = arith.cmpf oeq, %slice3A_131, %eq3A_132 : vector<4000x128xf32>
    %convert_element_type3A_134 = arith.extui %eq3A_133 : vector<4000x128xi1> to vector<4000x128xi32>
    %convert_element_type3A_135 = arith.sitofp %convert_element_type3A_134 : vector<4000x128xi32> to vector<4000x128xf32>
    %convert_element_type3A_136 = arith.truncf %convert_element_type3A_135 : vector<4000x128xf32> to vector<4000x128xbf16>
    %add3A_137 = arith.addf %add3A_130, %convert_element_type3A_136 : vector<4000x128xbf16>
    %slice3A_138 = vector.extract_strided_slice %dot_general3A_44 {offsets = [0, 1664], sizes = [4000, 128], strides = [1, 1]} : vector<4000x2048xf32> to vector<4000x128xf32>
    %eq3A_139 = vector.broadcast %convert_element_type3A_46 : vector<1x128xf32> to vector<4000x128xf32>
    %eq3A_140 = arith.cmpf oeq, %slice3A_138, %eq3A_139 : vector<4000x128xf32>
    %convert_element_type3A_141 = arith.extui %eq3A_140 : vector<4000x128xi1> to vector<4000x128xi32>
    %convert_element_type3A_142 = arith.sitofp %convert_element_type3A_141 : vector<4000x128xi32> to vector<4000x128xf32>
    %convert_element_type3A_143 = arith.truncf %convert_element_type3A_142 : vector<4000x128xf32> to vector<4000x128xbf16>
    %add3A_144 = arith.addf %add3A_137, %convert_element_type3A_143 : vector<4000x128xbf16>
    %slice3A_145 = vector.extract_strided_slice %dot_general3A_44 {offsets = [0, 1792], sizes = [4000, 128], strides = [1, 1]} : vector<4000x2048xf32> to vector<4000x128xf32>
    %eq3A_146 = vector.broadcast %convert_element_type3A_46 : vector<1x128xf32> to vector<4000x128xf32>
    %eq3A_147 = arith.cmpf oeq, %slice3A_145, %eq3A_146 : vector<4000x128xf32>
    %convert_element_type3A_148 = arith.extui %eq3A_147 : vector<4000x128xi1> to vector<4000x128xi32>
    %convert_element_type3A_149 = arith.sitofp %convert_element_type3A_148 : vector<4000x128xi32> to vector<4000x128xf32>
    %convert_element_type3A_150 = arith.truncf %convert_element_type3A_149 : vector<4000x128xf32> to vector<4000x128xbf16>
    %add3A_151 = arith.addf %add3A_144, %convert_element_type3A_150 : vector<4000x128xbf16>
    %slice3A_152 = vector.extract_strided_slice %dot_general3A_44 {offsets = [0, 1920], sizes = [4000, 128], strides = [1, 1]} : vector<4000x2048xf32> to vector<4000x128xf32>
    %eq3A_153 = vector.broadcast %convert_element_type3A_46 : vector<1x128xf32> to vector<4000x128xf32>
    %eq3A_154 = arith.cmpf oeq, %slice3A_152, %eq3A_153 : vector<4000x128xf32>
    %convert_element_type3A_155 = arith.extui %eq3A_154 : vector<4000x128xi1> to vector<4000x128xi32>
    %convert_element_type3A_156 = arith.sitofp %convert_element_type3A_155 : vector<4000x128xi32> to vector<4000x128xf32>
    %convert_element_type3A_157 = arith.truncf %convert_element_type3A_156 : vector<4000x128xf32> to vector<4000x128xbf16>
    %add3A_158 = arith.addf %add3A_151, %convert_element_type3A_157 : vector<4000x128xbf16>
    %convert_element_type3A_159 = arith.extf %add3A_158 : vector<4000x128xbf16> to vector<4000x128xf32>
    %div3A_160 = arith.constant 1.000000e+00 : f32
    %div3A_161 = vector.broadcast %div3A_160 : f32 to vector<4000x1xf32>
    %div3A_162 = arith.divf %div3A_161, %convert_element_type3A : vector<4000x1xf32>
    %broadcast_in_dim3A_163 = arith.constant 1.000000e+00 : f32
    %broadcast_in_dim3A_164 = vector.broadcast %broadcast_in_dim3A_163 : f32 to vector<1x64xf32>
    %dot_general3A_165 = arith.constant dense<0.000000e+00> : vector<4000x64xf32>
    %dot_general3A_166 = tpu.matmul %div3A_162, %broadcast_in_dim3A_164, %dot_general3A_165 {dimension_numbers = #tpu.dot_dimension_numbers<[1], [0], [0], [1], [0, 0, 1, 1], [], []>, transpose_lhs_hint = false} : vector<4000x1xf32>, vector<1x64xf32>, vector<4000x64xf32> -> vector<4000x64xf32>
    %get3A_167 = arith.constant 0 : index
    %get3A_168 = arith.constant 0 : index
    %get3A_169 = vector.load %arg3[%get3A_167, %get3A_168] : memref<128x64xf32, #tpu.memory_space<vmem>>, vector<128x64xf32>
    %dot_general3A_170 = arith.constant dense<0.000000e+00> : vector<4000x64xf32>
    %dot_general3A_171 = tpu.matmul %convert_element_type3A_159, %get3A_169, %dot_general3A_170 {dimension_numbers = #tpu.dot_dimension_numbers<[1], [0], [0], [1], [0, 0, 1, 1], [], []>, transpose_lhs_hint = false} : vector<4000x128xf32>, vector<128x64xf32>, vector<4000x64xf32> -> vector<4000x64xf32>
    %mul3A = arith.mulf %dot_general3A_171, %dot_general3A_166 : vector<4000x64xf32>
    %get3A_172 = arith.constant 0 : index
    %get3A_173 = arith.constant 0 : index
    %get3A_174 = vector.load %arg4[%get3A_172, %get3A_173] : memref<64x128xf32, #tpu.memory_space<vmem>>, vector<64x128xf32>
    %dot_general3A_175 = arith.constant dense<0.000000e+00> : vector<4000x128xf32>
    %dot_general3A_176 = tpu.matmul %mul3A, %get3A_174, %dot_general3A_175 {dimension_numbers = #tpu.dot_dimension_numbers<[1], [0], [0], [1], [0, 0, 1, 1], [], []>, transpose_lhs_hint = false} : vector<4000x64xf32>, vector<64x128xf32>, vector<4000x128xf32> -> vector<4000x128xf32>
    %get3A_177 = arith.constant 0 : index
    %get3A_178 = arith.constant 0 : index
    %get3A_179 = vector.load %arg5[%get3A_177, %get3A_178] : memref<1x128xf32, #tpu.memory_space<vmem>>, vector<1x128xf32>
    %add3A_180 = vector.broadcast %get3A_179 : vector<1x128xf32> to vector<4000x128xf32>
    %add3A_181 = arith.addf %dot_general3A_176, %add3A_180 : vector<4000x128xf32>
    %swap3A = arith.constant 0 : index
    %swap3A_182 = arith.constant 0 : index
    %swap3A_183 = vector.load %arg6[%swap3A, %swap3A_182] : memref<4000x128xf32, #tpu.memory_space<vmem>>, vector<4000x128xf32>
    tpu.vector_store %arg6[%swap3A, %swap3A_182], %add3A_181 {strides = array<i32>} : memref<4000x128xf32, #tpu.memory_space<vmem>>, vector<4000x128xf32>,
    return
  }
  func.func @transform_0(%arg0: i32) -> (i32, i32) {
    %c0_i32 = arith.constant 0 : i32
    %c0_i32_0 = arith.constant 0 : i32
    return %arg0, %c0_i32 : i32, i32
  }
  func.func @transform_1(%arg0: i32) -> (i32, i32, i32) {
    %c0_i32 = arith.constant 0 : i32
    %c0_i32_0 = arith.constant 0 : i32
    %c0_i32_1 = arith.constant 0 : i32
    return %arg0, %c0_i32, %c0_i32_0 : i32, i32, i32
  }
  func.func @transform_2(%arg0: i32) -> (i32, i32) {
    %c0_i32 = arith.constant 0 : i32
    %c0_i32_0 = arith.constant 0 : i32
    %c0_i32_1 = arith.constant 0 : i32
    return %c0_i32, %c0_i32_0 : i32, i32
  }
  func.func @transform_3(%arg0: i32) -> (i32, i32) {
    %c0_i32 = arith.constant 0 : i32
    %c0_i32_0 = arith.constant 0 : i32
    %c0_i32_1 = arith.constant 0 : i32
    return %c0_i32, %c0_i32_0 : i32, i32
  }
  func.func @transform_4(%arg0: i32) -> (i32, i32) {
    %c0_i32 = arith.constant 0 : i32
    %c0_i32_0 = arith.constant 0 : i32
    %c0_i32_1 = arith.constant 0 : i32
    return %c0_i32, %c0_i32_0 : i32, i32
  }
  func.func @transform_5(%arg0: i32) -> (i32, i32) {
    %c0_i32 = arith.constant 0 : i32
    %c0_i32_0 = arith.constant 0 : i32
    return %arg0, %c0_i32 : i32, i32
  }
}

</mosaic_0001>

<sc_bundles>
// kernel: kernel.4.cloned.1.call-start
scs
__scs_entry_jumppad:
0x0: {  	(pc) =	sbr.rel $0x88, $3  }
0x1: {  	(tag) =	ssettag $0x0;
	lr =	simm.s32 $0x1  }
0x2: {  	[smem:$0x3F9B] =	sst lr;
	_ =	strace $0xD0000000  }
0x3: {  	_ = 	snop  }
0x4: {  	_ = 	snop  }
0x5: {  	_ = 	snop  }
0x6: {  	_ = 	snop  }
0x7: {  	_ = 	snop  }
__scs_overlays_trampoline_lowered:
0x8: {  	[smem:$0x3FAA] =	sst s0  }
0x9: {  	[smem:$0x3FAB] =	sst s1  }
0xa: {  	[smem:$0x3FAC] =	sst s2  }
0xb: {  	[smem:$0x3FAD] =	sst s3  }
0xc: {  	[smem:$0x3FAE] =	sst s4  }
0xd: {  	[smem:$0x3FAF] =	sst s5  }
0xe: {  	[smem:$0x3FB0] =	sst s6  }
0xf: {  	[smem:$0x3FB1] =	sst s7  }
0x10: {  	[smem:$0x3FB2] =	sst s8  }
0x11: {  	[smem:$0x3FB3] =	sst s9;
	s0 =	simm.s32 @!p0 $0x0  }
0x12: {  	s1 =	sld [smem:$0x3F99];
	s0 =	simm.s32 @p0 $0x1  }
0x13: {  	[smem:$0x3FB4] =	sst s0;
	s0 =	simm.s32 @!p1 $0x0  }
0x14: {  	s2 =	sld [smem:$0x3F98];
	s0 =	simm.s32 @p1 $0x1  }
0x15: {  	[smem:$0x3FB5] =	sst s0;
	s0 =	simm.s32 @!p2 $0x0  }
0x16: {  	s3 =	sld [smem:$0x3FDB];
	s0 =	simm.s32 @p2 $0x1  }
0x17: {  	s4 =	simm.s32 $0x1BF5;
	[smem:$0x3FB7] =	sst s0  }
0x18: {  	s0 =	sld [smem:$0x3F9A];
	_ =	swait.ge [sflag:s4], $0x0  }
0x19: {  	s7 =	sld [smem:$0x3F9B]  }
0x1a: {  	s8 =	sadd.s32 $0xFFFFE003, lr  }
0x1b: {  	s9 =	sadd.s32 $0xFFFFFEF7, lr;
	s5 =	simm.s32 $0xFFFFFFFF;
	p2 =	slt.u32 s8, $0xFFFFF086  }
0x1c: {  	p1 =	slt.u32 s9, $0xF7A;
	s5 =	simm.s32 @!p2 $0x0  }
0x1d: {  	s5 =	simm.s32 @p1 $0x1;
	p0 =	seq.s32 s7, s2  }
0x1e: {  	s7 =	smul.u32 @!p0 $0xF7A, s2;
	p2 =	seq.s32 @!p0 s5, $0x0  }
0x1f: {  	s9 =	smul.u32 $0xF7A, s1;
	s8 =	simm.s32 @!p0 $0x1BF5;
	p2 =	por !p2, p0  }
0x20: {  	[sflag:s8] =	ssyncset.s32 @!p0 $0xFFFFF086;
	s6 =	sadd.s32 @!p0 s3, s7;
	s7 =	simm.s32 @!p0 $0x108  }
0x21: {  	s3 =	sadd.s32 s3, s9;
	s6 =	sadd.s32 @!p0 $0x88, s6;
	s7 =	simm.s32 @p2 $0x1082  }
0x22: {  	[simem:s7], [sflag:s8] =	dma.local @!p0 [hbm:s6], $0xF7A  }
0x23: {  	s9 =	sor.u32 $0xD0000000, s2;
	s6 =	simm.s32 $0x108;
	_ =	swait.ge @!p0 [sflag:s8], $0x0  }
0x24: {  	s3 =	sadd.s32 $0x88, s3;
	s6 =	simm.s32 @!p1 $0x1082;
	[sflag:s4] =	ssyncset.s32 $0xFFFFF086  }
0x25: {  	[simem:s6], [sflag:s4] =	dma.local [hbm:s3], $0xF7A  }
0x26: {  	[smem:$0x3F9B] =	sst s1;
	(tag) =	ssettag s2;
	_ =	strace s9  }
0x27: {  	s1 =	sld [smem:$0x3FAB]  }
0x28: {  	s2 =	sld [smem:$0x3FAC]  }
0x29: {  	s4 =	sld [smem:$0x3FAE]  }
0x2a: {  	p0 =	seq.s32 s5, $0x0;
	s5 =	sld [smem:$0x3FAF]  }
0x2b: {  	s6 =	sld [smem:$0x3FB0]  }
0x2c: {  	s7 =	sld [smem:$0x3FB1]  }
0x2d: {  	s3 =	simm.s32 $0x108;
	s8 =	sld [smem:$0x3FB2]  }
0x2e: {  	s3 =	simm.s32 @!p0 $0x1082;
	s9 =	sld [smem:$0x3FB3]  }
0x2f: {  	lr =	sadd.s32 s0, s3;
	s0 =	sld [smem:$0x3FAA]  }
0x30: {  	s3 =	sld [smem:$0x3FAD]  }
0x31: {  	[smem:$0x3FB6] =	sst s10  }
0x32: {  	s10 =	sld [smem:$0x3FB4];
	_ =	sdelay $0x3  }
0x33: {  	p0 =	seq.s32 s10, $0x1;
	s10 =	sld [smem:$0x3FB6];
	_ =	sdelay $0x3  }
0x34: {  	[smem:$0x3FB6] =	sst s10  }
0x35: {  	s10 =	sld [smem:$0x3FB5];
	_ =	sdelay $0x3  }
0x36: {  	p1 =	seq.s32 s10, $0x1;
	s10 =	sld [smem:$0x3FB6];
	_ =	sdelay $0x3  }
0x37: {  	[smem:$0x3FB6] =	sst s10  }
0x38: {  	s10 =	sld [smem:$0x3FB7]  }
0x39: {  	_ = 	snop;
	(pc) =	sbr.ind lr, $3  }
0x3a: {  	_ = 	snop  }
0x3b: {  	_ = 	snop  }
0x3c: {  	p2 =	seq.s32 s10, $0x1;
	s10 =	sld [smem:$0x3FB6]  }
0x3d: {  	_ =	shalt  }
0x3e: {  	_ =	shalt  }
0x3f: {  	_ =	shalt  }
0x40: {  	_ =	shalt  }
0x41: {  	_ =	shalt  }
0x42: {  	_ =	shalt  }
0x43: {  	_ =	shalt  }
0x44: {  	_ =	shalt  }
0x45: {  	_ =	shalt  }
0x46: {  	_ =	shalt  }
0x47: {  	_ =	shalt  }
0x48: {  	_ =	shalt  }
0x49: {  	_ =	shalt  }
0x4a: {  	_ =	shalt  }
0x4b: {  	_ =	shalt  }
0x4c: {  	_ =	shalt  }
0x4d: {  	_ =	shalt  }
0x4e: {  	_ =	shalt  }
0x4f: {  	_ =	shalt  }
0x50: {  	_ =	shalt  }
0x51: {  	_ =	shalt  }
0x52: {  	_ =	shalt  }
0x53: {  	_ =	shalt  }
0x54: {  	_ =	shalt  }
0x55: {  	_ =	shalt  }
0x56: {  	_ =	shalt  }
0x57: {  	_ =	shalt  }
0x58: {  	_ =	shalt  }
0x59: {  	_ =	shalt  }
0x5a: {  	_ =	shalt  }
0x5b: {  	_ =	shalt  }
0x5c: {  	_ =	shalt  }
0x5d: {  	_ =	shalt  }
0x5e: {  	_ =	shalt  }
0x5f: {  	_ =	shalt  }
0x60: {  	_ =	shalt  }
0x61: {  	_ =	shalt  }
0x62: {  	_ =	shalt  }
0x63: {  	_ =	shalt  }
0x64: {  	_ =	shalt  }
0x65: {  	_ =	shalt  }
0x66: {  	_ =	shalt  }
0x67: {  	_ =	shalt  }
0x68: {  	_ =	shalt  }
0x69: {  	_ =	shalt  }
0x6a: {  	_ =	shalt  }
0x6b: {  	_ =	shalt  }
0x6c: {  	_ =	shalt  }
0x6d: {  	_ =	shalt  }
0x6e: {  	_ =	shalt  }
0x6f: {  	_ =	shalt  }
0x70: {  	_ =	shalt  }
0x71: {  	_ =	shalt  }
0x72: {  	_ =	shalt  }
0x73: {  	_ =	shalt  }
0x74: {  	_ =	shalt  }
0x75: {  	_ =	shalt  }
0x76: {  	_ =	shalt  }
0x77: {  	_ =	shalt  }
0x78: {  	_ =	shalt  }
0x79: {  	_ =	shalt  }
0x7a: {  	_ =	shalt  }
0x7b: {  	_ =	shalt  }
0x7c: {  	_ =	shalt  }
0x7d: {  	_ =	shalt  }
0x7e: {  	_ =	shalt  }
0x7f: {  	_ =	shalt  }
0x80: {  	_ =	shalt  }
0x81: {  	_ =	shalt  }
0x82: {  	_ =	shalt  }
0x83: {  	_ =	shalt  }
0x84: {  	_ =	shalt  }
0x85: {  	_ =	shalt  }
0x86: {  	_ =	shalt  }
0x87: {  	_ =	shalt  }
.Lfunc_end0:
.L_simem_size_0:
called_computation_lowered:
.L_overlay_start_0:
0x88: {  	s2 =	sld [smem:$0x3FD9]  }
0x89: {  	s3 =	sld [smem:$0x3FFE];
	_ =	sdelay $0x1  }
0x8a: {  	s1 =	srdreg.scid  }
0x8b: {  	s0 =	sand.u32 $0x1, s1  }
0x8c: {  	s17 =	sshll.u32 s0, $0xA;
	s2 =	sadd.s32 s3, s2  }
0x8d: {  	s2 =	sadd.s32 s2, s17  }
0x8e: {  	[smem:$0x3FC2] =	sst s2  }
0x8f: {  	_ = 	snop  }
0x90: {  	s2 =	sld [smem:$0x3FC9]  }
0x91: {  	s18 =	sld [smem:$0x3FD0];
	(tm) =	ssettm $0x1  }
0x92: {  	s4 =	sld [smem:$0x3FFB];
	_ =	sdelay $0x3  }
0x93: {  	_ =	strace s4  }
0x94: {  	s4 =	sld [smem:$0x3FFC];
	_ =	sdelay $0x3  }
0x95: {  	_ =	strace s4  }
0x96: {  	s4 =	sld [smem:$0x3FFD];
	_ =	sdelay $0x3  }
0x97: {  	_ =	strace s4  }
0x98: {  	_ =	strace $0x8FFFFFFF  }
0x99: {  	s19 =	sld [smem:$0x3FDB];
	_ =	sdelay $0x1  }
0x9a: {  	s5 =	simm.s32 $_scs_section_size  }
0x9b: {  	s6 =	simm.s32 $_size__tile_overlayer_lowered;
	s7 =	simm.s32 $_tile_overlayer_lowered  }
0x9c: {  	s22 =	simm.s32 $0x1BFF;
	s21 =	sshll.u32 s7, $0x1;
	s4 =	sadd.s32 s5, s19  }
0x9d: {  	s8 =	simm.s32 $0x0;
	s20 =	sshll.u32 s6, $0x1;
	s6 =	sadd.s32 s21, s4  }
0x9e: {  	[timem:s8], [sflag:s22] =	dma.local [hbm:s6], s20  }
0x9f: {  	_ =	swait.ge [sflag:s22], s20  }
0xa0: {  	s5 =	ssub.s32 $0x0, s20;
	[sflag:s22] =	ssyncset.done $0x0  }
0xa1: {  	[sflag:s22] =	ssyncadd.s32 s5;
	_ =	sdelay $0x1  }
0xa2: {  	s23 =	simm.s32 $0x1B8B  }
0xa3: {  	_ =	swait.ge [sflag:s23], $0x1  }
0xa4: {  	[sflag:s23] =	ssyncset.done $0x0  }
0xa5: {  	s25 =	simm.s32 $0x1B8E;
	s24 =	sld [smem:$0x3FFE];
	[sflag:s23] =	ssyncadd.s32 $0xFFFFFFFF  }
0xa6: {  	s26 =	simm.s32 $execute0_lowered;
	[smem:$0x3FD2] =	sst s25  }
0xa7: {  	s6 =	sshll.u32 s26, $0x1;
	_ =	strace $0x80000046;
	[dreg:$0x1] =	wrdreg $0xFFFFFFFF  }
0xa8: {  	s28 =	simm.s32 $_size_execute0_lowered;
	s4 =	sadd.s32 s4, s6;
	[dreg:$0x0] =	wrdreg $0x0  }
0xa9: {  	s6 =	sshll.u32 s28, $0x1;
	[dreg:$0x2] =	wrdreg s4  }
0xaa: {  	[dreg:$0x3] =	wrdreg s6  }
0xab: {  	[dreg:$0x4] =	wrdreg $0xC0  }
0xac: {  	_ =	task [dreg:s8], $0x5FFFF  }
0xad: {  	[dreg:$0x1] =	wrdreg $0xFFFFFFFF  }
0xae: {  	[dreg:$0x0] =	wrdreg $0x60  }
0xaf: {  	[dreg:$0x2] =	wrdreg s2  }
0xb0: {  	[dreg:$0x3] =	wrdreg s24  }
0xb1: {  	[dreg:$0x4] =	wrdreg s18  }
0xb2: {  	[dreg:$0x5] =	wrdreg $0x9  }
0xb3: {  	_ =	task.clear_ibuf [dreg:s8], $0x6FFFF;
	_ =	strace $0x90000046  }
0xb4: {  	s29 =	simm.s32 $0x9;
	_ =	strace $0x80000048  }
0xb5: {  	_ =	swait.ge [sflag:s29], $0x1  }
0xb6: {  	[sflag:s29] =	ssyncadd.s32 $0xFFFFFFFF  }
0xb7: {  	_ =	strace $0x90000048  }
0xb8: {  	_ =	sfence  }
0xb9: {  	s30 =	sld [smem:$0x0];
	_ =	sdelay $0x2  }
0xba: {  	s31 =	sshll.u32 s1, $0xD;
	s1 =	sshrl.u32 s1, $0x2  }
0xbb: {  	s3 =	sand.u32 $0x4000, s31;
	s1 =	sadd.s32 s1, s30  }
0xbc: {  	s0 =	sor.u32 s3, s0;
	s1 =	sshll.u32 s1, $0x11  }
0xbd: {  	s0 =	sor.u32 s1, s0  }
0xbe: {  	s0 =	sadd.s32 $0x8F2B, s0  }
0xbf: {  	[sflag:s0] =	ssyncadd.remote.s32 $0x1  }
0xc0: {  	_ =	sfence.sel $0xFFFF  }
0xc1: {  	[dreg:$0x0] =	wrdreg $0xFFFFFFFF;
	(pc) =	sbr.abs _section_cstart, $3  }
0xc2: {  	[dreg:$0x1] =	wrdreg $0xFFFFFFFF  }
0xc3: {  	_ =	task.clear_ibuf [dreg:s8], $0x2FFFF;
	_ =	strace $0x9FFFFFFF  }
0xc4: {  	(tm) =	ssettm $0x7FFFFFFF  }
0xc5: {  	_ =	shalt  }
tec
execute0_lowered:
.L_overlay_start_1:
0x0: {  	(tag) =	ssettag $0x1  }
0x1: {  	s4 =	rddreg [dreg:$0x0]  }
0x2: {  	s2 =	rddreg [dreg:$0x1]  }
0x3: {  	s7 =	rddreg [dreg:$0x2]  }
0x4: {  	s0 =	rddreg [dreg:$0x3];
	s1 =	simm.s32 $0x0;
	s3 =	srdreg.scid  }
0x5: {  	s11 =	simm.s32 $0x2;
	s12 =	simm.s32 $0x80;
	s13 =	simm.s32 $0x1C00  }
0x6: {  	s14 =	simm.s32 $0x5C00;
	s15 =	simm.s32 $0x9C00;
	s16 =	simm.s32 $0xDC00  }
0x7: {  	s17 =	simm.s32 $0x11C00;
	s18 =	simm.s32 $0x1;
	s19 =	simm.s32 $0x4000  }
0x8: {  	s20 =	simm.s32 $0x80000;
	s21 =	simm.s32 $0x0;
	[smem:$0x7FF] =	sst s1  }
0x9: {  	s5 =	sand.u32 $0x1, s3;
	s3 =	sadd.s32 $0x800, s2;
	s2 =	stileid.u32  }
0xa: {  	_ =	strace $0x80000047;
	s6 =	ssub.s32 $0x2, s5;
	s9 =	sshll.u32 s2, $0x8  }
0xb: {  	s10 =	sshll.u32 s5, $0x7;
	s30 =	sshll.u32 s2, $0xF;
	s5 =	sshll.u32 s5, $0xE  }
0xc: {  	s8 =	sshrl.u32 s6, $0x1;
	s9 =	sor.u32 s10, s9;
	s31 =	sor.u32 s5, s30  }
0xd: {  	s10 =	simm.s32 $0x1800;
	s6 =	ssub.s32 s6, s8;
	s4 =	sadd.s32 s4, s9  }
0xe: {  	s8 =	sshrl.u32 s31, $0x3;
	s9 =	simm.s32 $0x8000;
	s5 =	sadd.s32 $0x6000, s4  }
0xf: {  	s6 =	smax.u32 s6, $0x1;
	s7 =	sadd.s32 s8, s7;
	s8 =	simm.s32 $0x400  }
.LBB2_1:
0x10: {  	[tilespmem:s1], [sflag:$0x2] =	stream.strided.gather [hbm4b:s4+s8], $0x1800, s9, s8, $0x38;
	[tilespmem:$0x15C00] =	vst v63  }
0x11: {  	_ = 	snop  }
0x12: {  	[tilespmem:s10], [sflag:$0x2] =	stream.linear.gather [hbm4b:s5+s1], $0x100, $0x38;
	[tilespmem:$0x15C00] =	vst v63  }
0x13: {  	_ =	swait.ge [sflag:s11], $0x1900  }
0x14: {  	[sflag:s11] =	ssyncset.done $0x0  }
0x15: {  	s22 =	simm.s32 $0x0;
	[sflag:s11] =	ssyncadd.s32 $0xFFFFE700  }
0x16: {  	[tilespmem:s13], [sflag:$0x1] =	stream.indirect.gather [hbm4b:s3+s12], $0x80, s22, s12, $0xb8;
	[tilespmem:$0x15C00] =	vst v63  }
0x17: {  	s28 =	simm.s32 $0x80  }
0x18: {  	[tilespmem:s14], [sflag:$0x1] =	stream.indirect.gather [hbm4b:s3+s12], $0x80, s28, s12, $0xb8;
	[tilespmem:$0x15C00] =	vst v63  }
0x19: {  	s29 =	simm.s32 $0x100  }
0x1a: {  	[tilespmem:s15], [sflag:$0x1] =	stream.indirect.gather [hbm4b:s3+s12], $0x80, s29, s12, $0xb8;
	[tilespmem:$0x15C00] =	vst v63  }
0x1b: {  	s30 =	simm.s32 $0x180  }
0x1c: {  	[tilespmem:s16], [sflag:$0x1] =	stream.indirect.gather [hbm4b:s3+s12], $0x80, s30, s12, $0xb8;
	[tilespmem:$0x15C00] =	vst v63  }
0x1d: {  	s31 =	simm.s32 $0x200  }
0x1e: {  	[tilespmem:s17], [sflag:$0x1] =	stream.indirect.gather [hbm4b:s3+s12], $0x80, s31, s12, $0xb8;
	[tilespmem:$0x15C00] =	vst v63  }
0x1f: {  	_ =	swait.ge [sflag:s18], $0x4000  }
0x20: {  	[sflag:s18] =	ssyncset.done $0x0  }
0x21: {  	[sflag:s18] =	ssyncadd.s32 $0xFFFFC000  }
0x22: {  	_ =	swait.ge [sflag:s18], $0x4000  }
0x23: {  	[sflag:s18] =	ssyncset.done $0x0  }
0x24: {  	[sflag:s18] =	ssyncadd.s32 $0xFFFFC000  }
0x25: {  	_ =	swait.ge [sflag:s18], $0x4000  }
0x26: {  	[sflag:s18] =	ssyncset.done $0x0  }
0x27: {  	[sflag:s18] =	ssyncadd.s32 $0xFFFFC000  }
0x28: {  	_ =	swait.ge [sflag:s18], $0x4000  }
0x29: {  	[sflag:s18] =	ssyncset.done $0x0  }
0x2a: {  	[sflag:s18] =	ssyncadd.s32 $0xFFFFC000  }
0x2b: {  	_ =	swait.ge [sflag:s18], $0x4000  }
0x2c: {  	[sflag:s18] =	ssyncset.done $0x0  }
0x2d: {  	[sflag:s18] =	ssyncadd.s32 $0xFFFFC000  }
0x2e: {  	[hbm4b:s7+s19] =	stream.strided.scatter [tilespmem:s13], [sflag:$0x2], $0x14000, s20, s19, $0x38;
	[tilespmem:$0x15C00] =	vst v63  }
0x2f: {  	s23 =	simm.s32 $0xA00;
	_ =	swait.ge [sflag:s11], $0x14000  }
0x30: {  	s24 =	simm.s32 $0x1400;
	s22 =	sadd.s32 $0x50000, s7;
	[sflag:s11] =	ssyncset.done $0x0  }
.LBB2_2:
0x31: {  	s25 =	sshra.s32 s23, $0x2  }
0x32: {  	[sflag:s11] =	ssyncadd.s32 $0xFFFEC000;
	s23 =	smov.u32 s24;
	s26 =	sadd.s32 $0xA00, s24  }
0x33: {  	[tilespmem:s13], [sflag:$0x1] =	stream.indirect.gather [hbm4b:s3+s12], $0x80, s25, s12, $0xb8;
	[tilespmem:$0x15C00] =	vst v63  }
0x34: {  	p0 =	sne.s32 s24, $0x5A00;
	s24 =	sadd.s32 $0x80, s25  }
0x35: {  	[tilespmem:s14], [sflag:$0x1] =	stream.indirect.gather [hbm4b:s3+s12], $0x80, s24, s12, $0xb8;
	[tilespmem:$0x15C00] =	vst v63  }
0x36: {  	s24 =	sadd.s32 $0x100, s25  }
0x37: {  	[tilespmem:s15], [sflag:$0x1] =	stream.indirect.gather [hbm4b:s3+s12], $0x80, s24, s12, $0xb8;
	[tilespmem:$0x15C00] =	vst v63  }
0x38: {  	s24 =	sadd.s32 $0x180, s25  }
0x39: {  	[tilespmem:s16], [sflag:$0x1] =	stream.indirect.gather [hbm4b:s3+s12], $0x80, s24, s12, $0xb8;
	[tilespmem:$0x15C00] =	vst v63  }
0x3a: {  	s24 =	sadd.s32 $0x200, s25  }
0x3b: {  	[tilespmem:s17], [sflag:$0x1] =	stream.indirect.gather [hbm4b:s3+s12], $0x80, s24, s12, $0xb8;
	[tilespmem:$0x15C00] =	vst v63  }
0x3c: {  	_ =	swait.ge [sflag:s18], $0x4000  }
0x3d: {  	[sflag:s18] =	ssyncset.done $0x0  }
0x3e: {  	[sflag:s18] =	ssyncadd.s32 $0xFFFFC000  }
0x3f: {  	_ =	swait.ge [sflag:s18], $0x4000  }
0x40: {  	[sflag:s18] =	ssyncset.done $0x0  }
0x41: {  	[sflag:s18] =	ssyncadd.s32 $0xFFFFC000  }
0x42: {  	_ =	swait.ge [sflag:s18], $0x4000  }
0x43: {  	[sflag:s18] =	ssyncset.done $0x0  }
0x44: {  	[sflag:s18] =	ssyncadd.s32 $0xFFFFC000  }
0x45: {  	_ =	swait.ge [sflag:s18], $0x4000  }
0x46: {  	[sflag:s18] =	ssyncset.done $0x0  }
0x47: {  	[sflag:s18] =	ssyncadd.s32 $0xFFFFC000  }
0x48: {  	_ =	swait.ge [sflag:s18], $0x4000  }
.Ltmp0:
0x49: {  	[sflag:s18] =	ssyncset.done $0x0;
	(pc) =	sbr.rel @p0 .LBB2_2-.Ltmp0, $4  }
0x4a: {  	[sflag:s18] =	ssyncadd.s32 $0xFFFFC000  }
0x4b: {  	[hbm4b:s22+s19] =	stream.strided.scatter [tilespmem:s13], [sflag:$0x2], $0x14000, s20, s19, $0x38;
	[tilespmem:$0x15C00] =	vst v63  }
0x4c: {  	_ =	swait.ge [sflag:s11], $0x14000  }
0x4d: {  	s24 =	smov.u32 s26;
	s22 =	sadd.s32 $0x50000, s22;
	[sflag:s11] =	ssyncset.done $0x0  }
0x4e: {  	s23 =	sshra.s32 s23, $0x2;
	[sflag:s11] =	ssyncadd.s32 $0xFFFEC000  }
0x4f: {  	[tilespmem:s13], [sflag:$0x1] =	stream.indirect.gather [hbm4b:s3+s12], $0x80, s23, s12, $0xb8;
	[tilespmem:$0x15C00] =	vst v63  }
0x50: {  	s24 =	sadd.s32 $0x80, s23  }
0x51: {  	[tilespmem:s14], [sflag:$0x1] =	stream.indirect.gather [hbm4b:s3+s12], $0x80, s24, s12, $0xb8;
	[tilespmem:$0x15C00] =	vst v63  }
0x52: {  	s30 =	sadd.s32 $0x100, s23  }
0x53: {  	[tilespmem:s15], [sflag:$0x1] =	stream.indirect.gather [hbm4b:s3+s12], $0x80, s30, s12, $0xb8;
	[tilespmem:$0x15C00] =	vst v63  }
0x54: {  	s31 =	sadd.s32 $0x180, s23  }
0x55: {  	[tilespmem:s16], [sflag:$0x1] =	stream.indirect.gather [hbm4b:s3+s12], $0x80, s31, s12, $0xb8;
	[tilespmem:$0x15C00] =	vst v63  }
0x56: {  	s23 =	sadd.s32 $0x200, s23  }
0x57: {  	[tilespmem:s17], [sflag:$0x1] =	stream.indirect.gather [hbm4b:s3+s12], $0x80, s23, s12, $0xb8;
	[tilespmem:$0x15C00] =	vst v63  }
0x58: {  	_ =	swait.ge [sflag:s18], $0x4000  }
0x59: {  	[sflag:s18] =	ssyncset.done $0x0  }
0x5a: {  	[sflag:s18] =	ssyncadd.s32 $0xFFFFC000  }
0x5b: {  	_ =	swait.ge [sflag:s18], $0x4000  }
0x5c: {  	[sflag:s18] =	ssyncset.done $0x0  }
0x5d: {  	[sflag:s18] =	ssyncadd.s32 $0xFFFFC000  }
0x5e: {  	_ =	swait.ge [sflag:s18], $0x4000  }
0x5f: {  	[sflag:s18] =	ssyncset.done $0x0  }
0x60: {  	[sflag:s18] =	ssyncadd.s32 $0xFFFFC000  }
0x61: {  	_ =	swait.ge [sflag:s18], $0x4000  }
0x62: {  	[sflag:s18] =	ssyncset.done $0x0  }
0x63: {  	[sflag:s18] =	ssyncadd.s32 $0xFFFFC000  }
0x64: {  	s21 =	sadd.s32 $0x1, s21;
	_ =	swait.ge [sflag:s18], $0x4000  }
0x65: {  	p0 =	sne.s32 s21, s6;
	[sflag:s18] =	ssyncset.done $0x0  }
.Ltmp1:
0x66: {  	[sflag:s18] =	ssyncadd.s32 $0xFFFFC000;
	(pc) =	sbr.rel @p0 .LBB2_1-.Ltmp1, $4  }
0x67: {  	[hbm4b:s22+s19] =	stream.strided.scatter [tilespmem:s13], [sflag:$0x2], $0x14000, s20, s19, $0x38;
	[tilespmem:$0x15C00] =	vst v63  }
0x68: {  	_ =	swait.ge [sflag:s11], $0x14000  }
0x69: {  	[sflag:s11] =	ssyncset.done $0x0  }
0x6a: {  	[sflag:s11] =	ssyncadd.s32 $0xFFFEC000  }
0x6b: {  	_ =	sfence.sel $0x180000  }
0x6c: {  	[bflag:$0x0] =	sbarrier.arrive $0xFFFF  }
0x6d: {  	p0 =	sne.s32 s2, $0x0;
	_ =	strace $0x90000047  }
0x6e: {  	s0 =	sadd.s32 @!p0 $0x100000, s0;
	[bflag:$0x2] =	sbarrier.arrive $0xFFFF  }
0x6f: {  	[sflag:s0] =	ssyncadd.tile.s32 @!p0 $0x1;
	_ =	shalt  }
.Lfunc_end2:
_tile_overlayer_lowered:
.L_overlay_start_2:
0x70: {  	(tag) =	ssettag $0x2  }
0x71: {  	s0 =	rddreg [dreg:$0x0];
	s2 =	stileid.u32  }
0x72: {  	s1 =	rddreg [dreg:$0x1];
	p0 =	sne.s32 s2, $0x0  }
0x73: {  	s3 =	rddreg [dreg:$0x2];
	[bflag:$0x3] =	sbarrier.arrive $0xFFFF;
	s2 =	simm.s32 @!p0 $0x1C02  }
0x74: {  	[timem:s3], [sflag:s2] =	dma.local @!p0 [hbm:s0], s1  }
0x75: {  	s0 =	simm.s32 @!p0 $0x2  }
0x76: {  	_ =	swait.ge @!p0 [sflag:s0], s1  }
0x77: {  	s1 =	ssub.s32 @!p0 $0x0, s1;
	[sflag:s0] =	ssyncset.done @!p0 $0x0  }
0x78: {  	[sflag:s0] =	ssyncadd.s32 @!p0 s1  }
0x79: {  	[bflag:$0x3] =	sbarrier.arrive $0xFFFF  }
0x7a: {  	_ =	shalt  }

</sc_bundles>
